<compile_context>
chip_gen: v7x
topology: tpu7x:2x2x1
jax: 0.10.2.dev20260603
libtpu: 0.0.44.dev20260713+nightly
codegen_flags: <defaults>
</compile_context>

<pallas_src>
import functools

import jax
import jax.numpy as jnp
from jax import lax
from jax.experimental import pallas as pl
from jax.experimental.pallas import tpu as pltpu
from jax.experimental.pallas import tpu_sc as plsc

NC = 2
NS = 16
NW = NC * NS
CH = 128
D = 128
SPLIT0 = 0.68


def _sc_agg_body(nch0, nch1, agg_rows,
                 h_hbm, idx_hbm, out_hbm,
                 idx_v, msg, agg_sh, gsem):
    c = lax.axis_index("c")
    s = lax.axis_index("s")

    zrows = agg_rows // NS

    def _zero_row(i, _):
        for j in range(D // 16):
            msg[i, pl.ds(j * 16, 16)] = jnp.zeros((16,), jnp.float32)
        return 0

    lax.fori_loop(0, CH, _zero_row, 0)
    for k in range(zrows // CH):
        pltpu.sync_copy(msg, agg_sh.at[pl.ds(s * zrows + k * CH, CH)])
    rem = zrows % CH
    if rem:
        pltpu.sync_copy(msg.at[pl.ds(0, rem)],
                        agg_sh.at[pl.ds(s * zrows + (zrows // CH) * CH, rem)])

    nch_max = max(nch0, nch1)
    base = jnp.where(c == 0, s * nch0, NS * nch0 + s * nch1)
    my_nch = jnp.where(c == 0, nch0, nch1)
    pltpu.sync_copy(idx_hbm.at[pl.ds(base, nch_max)], idx_v)
    plsc.subcore_barrier()

    def _chunk(j, _):
        pltpu.async_copy(h_hbm.at[idx_v.at[j, 0]], msg, gsem).wait()
        pltpu.sync_copy(msg, agg_sh.at[idx_v.at[j, 1]], add=True)
        return 0

    lax.fori_loop(0, my_nch, _chunk, 0)
    plsc.subcore_barrier()

    pltpu.sync_copy(agg_sh.at[pl.ds(s * zrows, zrows)],
                    out_hbm.at[c, pl.ds(s * zrows, zrows)])


@functools.partial(jax.jit, static_argnums=(2, 3, 4))
def _sc_agg(h, idx, n_nodes, nch0, nch1):
    agg_rows = ((n_nodes + 1 + NS * 8 - 1) // (NS * 8)) * (NS * 8)
    mesh = plsc.VectorSubcoreMesh(core_axis_name="c", subcore_axis_name="s",
                                  num_cores=NC, num_subcores=NS)
    body = functools.partial(_sc_agg_body, nch0, nch1, agg_rows)
    kern = pl.kernel(
        body,
        out_type=jax.ShapeDtypeStruct((NC, agg_rows, D), jnp.float32),
        mesh=mesh,
        scratch_types=[
            pltpu.VMEM((max(nch0, nch1), 2, CH), jnp.int32),
            pltpu.VMEM((CH, D), jnp.float32),
            pltpu.VMEM_SHARED((agg_rows, D), jnp.float32),
            pltpu.SemaphoreType.DMA,
        ],
    )
    return kern(h, idx)


def _tc_body(h_ref, a0_ref, a1_ref, w_ref, o_ref):
    agg = a0_ref[0] + a1_ref[0]
    t = jnp.dot(agg, w_ref[...], preferred_element_type=jnp.float32)
    o_ref[...] = h_ref[...] + jnp.maximum(t, 0.0)


def _tc_update(h, agg2, w):
    n = h.shape[0]
    blk = 1000
    grid = (n // blk,)
    return pl.pallas_call(
        _tc_body,
        grid=grid,
        in_specs=[
            pl.BlockSpec((blk, D), lambda i: (i, 0)),
            pl.BlockSpec((1, blk, D), lambda i: (0, i, 0)),
            pl.BlockSpec((1, blk, D), lambda i: (1, i, 0)),
            pl.BlockSpec((D, D), lambda i: (0, 0)),
        ],
        out_specs=pl.BlockSpec((blk, D), lambda i: (i, 0)),
        out_shape=jax.ShapeDtypeStruct((n, D), jnp.float32),
    )(h, agg2, agg2, w)


def kernel(x, edge_index, W):
    n = x.shape[0]
    e = edge_index.shape[1]
    src = edge_index[0].astype(jnp.int32)
    dst = edge_index[1].astype(jnp.int32)

    nck = (e + NS * CH - 1) // (NS * CH)
    nch0 = max(1, round(nck * SPLIT0))
    nch1 = nck - nch0
    e_pad = NS * nck * CH
    slack = max(nch0, nch1) * CH
    src_m = jnp.concatenate(
        [src, jnp.zeros((e_pad + slack - e,), jnp.int32)]).reshape(-1, CH)
    dst_m = jnp.concatenate(
        [dst, jnp.full((e_pad + slack - e,), n, jnp.int32)]).reshape(-1, CH)
    idx = jnp.stack([src_m, dst_m], axis=1)

    h = x
    for l in range(W.shape[0]):
        agg2 = _sc_agg(h, idx, n, nch0, nch1)
        h = _tc_update(h, agg2, W[l])
    return h

# --- scband reference (transcript-rebuilt; emitter-appended) ---
"""Pipeline reference for scband-ma-model-5695126634678 (READ-ONLY COPY).

The authoritative reference and input builder live on the scoring server;
editing this copy changes nothing except your own understanding.
"""

import jax, jax.numpy as jnp
import numpy as np

N_NODES = 10000
N_EDGES = 320000
HIDDIM = 128
NUM_LAYER = 6


def setup_inputs(seed: int = 0) -> dict:
    key = jax.random.key(seed)
    k1, k2, k3 = jax.random.split(key, 3)
    x = jax.random.normal(k1, (N_NODES, HIDDIM), dtype=jnp.float32)
    edge_index = jax.random.randint(k2, (2, N_EDGES), 0, N_NODES)
    # learned params: one weight matrix per conv layer (hiddim -> hiddim)
    W = jax.random.normal(k3, (NUM_LAYER, HIDDIM, HIDDIM), dtype=jnp.float32) * (1.0 / np.sqrt(HIDDIM))
    return {"x": x, "edge_index": edge_index, "W": W}


def reference(x, edge_index, W):
    # MaModel.forward: stack of num_layer conv layers over sparse/masked adjacency A.
    # Each conv: gather messages along src, scatter-add (sum aggregation encoded by A) into dst,
    # then apply the per-layer MLP (single linear + relu here, mlp={}).
    # residual=True: X = X.add(tX, samesparse=True) -> X = X + tX on the shared sparsity pattern.
    src = edge_index[0]
    dst = edge_index[1]
    n = x.shape[0]
    h = x
    for l in range(W.shape[0]):
        msg = jnp.take(h, src, axis=0)                      # gather  [E, d]
        agg = jax.ops.segment_sum(msg, dst, num_segments=n)  # scatter-add [N, d]
        tX = jax.nn.relu(agg @ W[l])
        h = h + tX  # residual add, same sparse pattern
    return h

if __name__ == "__main__":
    import jax
    _d = setup_inputs()
    print(jax.jit(kernel)(*tuple(_d.values())))

</pallas_src>

<mosaic_0001>
#map = affine_map<(d0, d1) -> (0, 0)>
#map1 = affine_map<(d0, d1) -> (0, 0, 0)>
module attributes {stable_mosaic.version = 14 : i64} {
  func.func @_sc_agg_body(%arg0: i32, %arg1: i32, %arg2: memref<10000x128xf32, #tpu.memory_space<hbm>>, %arg3: memref<2619x2x128xi32, #tpu.memory_space<hbm>>, %arg4: memref<2x10112x128xf32, #tpu.memory_space<hbm>>, %arg5: memref<107x2x128xi32, #tpu.memory_space<vmem>>, %arg6: memref<128x128xf32, #tpu.memory_space<vmem>>, %arg7: memref<10112x128xf32, #tpu.memory_space<vmem_shared>>, %arg8: memref<!tpu.dma_semaphore, #tpu.memory_space<semaphore_mem>>) attributes {dimension_semantics = [#tpu.dimension_semantics<core_parallel>, #tpu.dimension_semantics<subcore_parallel>], iteration_bounds = array<i64: 2, 16>, scalar_prefetch = 0 : i64, scratch_operands = 4 : i64, tpu.core_type = #tpu.core_type<sc_vector_subcore>, window_params = [{transform_indices = #map}, {transform_indices = #map1}, {transform_indices = #map1}]} {
    %scan3A = arith.constant 0 : i32
    %scan3A_0 = arith.constant 0 : i32
    %scan3A_1 = arith.constant 128 : i32
    %scan3A_2 = arith.addi %scan3A_0, %scan3A_1 : i32
    %scan3A_3 = arith.constant 1 : i32
    %scan3A_4 = scf.for %scan3A_51 = %scan3A_0 to %scan3A_2 step %scan3A_3 iter_args(%scan3A_52 = %scan3A) -> (i32)  : i32 {
      %broadcast_in_dim3A = arith.constant 0.000000e+00 : f32
      %broadcast_in_dim3A_53 = vector.broadcast %broadcast_in_dim3A : f32 to vector<16xf32>
      %swap3A = arith.index_cast %scan3A_51 : i32 to index
      %swap3A_54 = arith.constant 0 : index
      %swap3A_55 = tpu.vector_load %arg6[%swap3A, %swap3A_54] {strides = array<i32>} : memref<128x128xf32, #tpu.memory_space<vmem>>, vector<1x16xf32>,
      %swap3A_56 = vector.shape_cast %swap3A_55 : vector<1x16xf32> to vector<16xf32>
      %swap3A_57 = vector.shape_cast %broadcast_in_dim3A_53 : vector<16xf32> to vector<1x16xf32>
      tpu.vector_store %arg6[%swap3A, %swap3A_54], %swap3A_57 {strides = array<i32>} : memref<128x128xf32, #tpu.memory_space<vmem>>, vector<1x16xf32>,
      %broadcast_in_dim3A_58 = arith.constant 0.000000e+00 : f32
      %broadcast_in_dim3A_59 = vector.broadcast %broadcast_in_dim3A_58 : f32 to vector<16xf32>
      %swap3A_60 = arith.index_cast %scan3A_51 : i32 to index
      %swap3A_61 = arith.constant 16 : index
      %swap3A_62 = tpu.vector_load %arg6[%swap3A_60, %swap3A_61] {strides = array<i32>} : memref<128x128xf32, #tpu.memory_space<vmem>>, vector<1x16xf32>,
      %swap3A_63 = vector.shape_cast %swap3A_62 : vector<1x16xf32> to vector<16xf32>
      %swap3A_64 = vector.shape_cast %broadcast_in_dim3A_59 : vector<16xf32> to vector<1x16xf32>
      tpu.vector_store %arg6[%swap3A_60, %swap3A_61], %swap3A_64 {strides = array<i32>} : memref<128x128xf32, #tpu.memory_space<vmem>>, vector<1x16xf32>,
      %broadcast_in_dim3A_65 = arith.constant 0.000000e+00 : f32
      %broadcast_in_dim3A_66 = vector.broadcast %broadcast_in_dim3A_65 : f32 to vector<16xf32>
      %swap3A_67 = arith.index_cast %scan3A_51 : i32 to index
      %swap3A_68 = arith.constant 32 : index
      %swap3A_69 = tpu.vector_load %arg6[%swap3A_67, %swap3A_68] {strides = array<i32>} : memref<128x128xf32, #tpu.memory_space<vmem>>, vector<1x16xf32>,
      %swap3A_70 = vector.shape_cast %swap3A_69 : vector<1x16xf32> to vector<16xf32>
      %swap3A_71 = vector.shape_cast %broadcast_in_dim3A_66 : vector<16xf32> to vector<1x16xf32>
      tpu.vector_store %arg6[%swap3A_67, %swap3A_68], %swap3A_71 {strides = array<i32>} : memref<128x128xf32, #tpu.memory_space<vmem>>, vector<1x16xf32>,
      %broadcast_in_dim3A_72 = arith.constant 0.000000e+00 : f32
      %broadcast_in_dim3A_73 = vector.broadcast %broadcast_in_dim3A_72 : f32 to vector<16xf32>
      %swap3A_74 = arith.index_cast %scan3A_51 : i32 to index
      %swap3A_75 = arith.constant 48 : index
      %swap3A_76 = tpu.vector_load %arg6[%swap3A_74, %swap3A_75] {strides = array<i32>} : memref<128x128xf32, #tpu.memory_space<vmem>>, vector<1x16xf32>,
      %swap3A_77 = vector.shape_cast %swap3A_76 : vector<1x16xf32> to vector<16xf32>
      %swap3A_78 = vector.shape_cast %broadcast_in_dim3A_73 : vector<16xf32> to vector<1x16xf32>
      tpu.vector_store %arg6[%swap3A_74, %swap3A_75], %swap3A_78 {strides = array<i32>} : memref<128x128xf32, #tpu.memory_space<vmem>>, vector<1x16xf32>,
      %broadcast_in_dim3A_79 = arith.constant 0.000000e+00 : f32
      %broadcast_in_dim3A_80 = vector.broadcast %broadcast_in_dim3A_79 : f32 to vector<16xf32>
      %swap3A_81 = arith.index_cast %scan3A_51 : i32 to index
      %swap3A_82 = arith.constant 64 : index
      %swap3A_83 = tpu.vector_load %arg6[%swap3A_81, %swap3A_82] {strides = array<i32>} : memref<128x128xf32, #tpu.memory_space<vmem>>, vector<1x16xf32>,
      %swap3A_84 = vector.shape_cast %swap3A_83 : vector<1x16xf32> to vector<16xf32>
      %swap3A_85 = vector.shape_cast %broadcast_in_dim3A_80 : vector<16xf32> to vector<1x16xf32>
      tpu.vector_store %arg6[%swap3A_81, %swap3A_82], %swap3A_85 {strides = array<i32>} : memref<128x128xf32, #tpu.memory_space<vmem>>, vector<1x16xf32>,
      %broadcast_in_dim3A_86 = arith.constant 0.000000e+00 : f32
      %broadcast_in_dim3A_87 = vector.broadcast %broadcast_in_dim3A_86 : f32 to vector<16xf32>
      %swap3A_88 = arith.index_cast %scan3A_51 : i32 to index
      %swap3A_89 = arith.constant 80 : index
      %swap3A_90 = tpu.vector_load %arg6[%swap3A_88, %swap3A_89] {strides = array<i32>} : memref<128x128xf32, #tpu.memory_space<vmem>>, vector<1x16xf32>,
      %swap3A_91 = vector.shape_cast %swap3A_90 : vector<1x16xf32> to vector<16xf32>
      %swap3A_92 = vector.shape_cast %broadcast_in_dim3A_87 : vector<16xf32> to vector<1x16xf32>
      tpu.vector_store %arg6[%swap3A_88, %swap3A_89], %swap3A_92 {strides = array<i32>} : memref<128x128xf32, #tpu.memory_space<vmem>>, vector<1x16xf32>,
      %broadcast_in_dim3A_93 = arith.constant 0.000000e+00 : f32
      %broadcast_in_dim3A_94 = vector.broadcast %broadcast_in_dim3A_93 : f32 to vector<16xf32>
      %swap3A_95 = arith.index_cast %scan3A_51 : i32 to index
      %swap3A_96 = arith.constant 96 : index
      %swap3A_97 = tpu.vector_load %arg6[%swap3A_95, %swap3A_96] {strides = array<i32>} : memref<128x128xf32, #tpu.memory_space<vmem>>, vector<1x16xf32>,
      %swap3A_98 = vector.shape_cast %swap3A_97 : vector<1x16xf32> to vector<16xf32>
      %swap3A_99 = vector.shape_cast %broadcast_in_dim3A_94 : vector<16xf32> to vector<1x16xf32>
      tpu.vector_store %arg6[%swap3A_95, %swap3A_96], %swap3A_99 {strides = array<i32>} : memref<128x128xf32, #tpu.memory_space<vmem>>, vector<1x16xf32>,
      %broadcast_in_dim3A_100 = arith.constant 0.000000e+00 : f32
      %broadcast_in_dim3A_101 = vector.broadcast %broadcast_in_dim3A_100 : f32 to vector<16xf32>
      %swap3A_102 = arith.index_cast %scan3A_51 : i32 to index
      %swap3A_103 = arith.constant 112 : index
      %swap3A_104 = tpu.vector_load %arg6[%swap3A_102, %swap3A_103] {strides = array<i32>} : memref<128x128xf32, #tpu.memory_space<vmem>>, vector<1x16xf32>,
      %swap3A_105 = vector.shape_cast %swap3A_104 : vector<1x16xf32> to vector<16xf32>
      %swap3A_106 = vector.shape_cast %broadcast_in_dim3A_101 : vector<16xf32> to vector<1x16xf32>
      tpu.vector_store %arg6[%swap3A_102, %swap3A_103], %swap3A_106 {strides = array<i32>} : memref<128x128xf32, #tpu.memory_space<vmem>>, vector<1x16xf32>,
      %scan3A_107 = arith.constant 0 : i32
      scf.yield %scan3A_107 : i32
    }
    %scan3A_5 = arith.constant 128 : i32
    %mul3A = arith.constant 632 : i32
    %mul3A_6 = arith.muli %arg1, %mul3A : i32
    %add3A = arith.constant 0 : i32
    %add3A_7 = arith.addi %mul3A_6, %add3A : i32
    "tpu.region"() ({
      %run_scoped3A = tpu.sem_alloc : memref<!tpu.dma_semaphore, #tpu.memory_space<semaphore_mem>>
      %dma_start3A = arith.constant 0 : i32
      %dma_start3A_51 = tpu.memref_slice %arg7[%add3A_7, %dma_start3A] : memref<10112x128xf32, #tpu.memory_space<vmem_shared>> -> memref<128x128xf32, #tpu.memory_space<vmem_shared>>
      %dma_start3A_52 = arith.constant 0 : i32
      %dma_start3A_53 = tpu.memref_slice %arg7[%add3A_7, %dma_start3A_52] : memref<10112x128xf32, #tpu.memory_space<vmem_shared>> -> memref<128x128xf32, #tpu.memory_space<vmem_shared>>
      tpu.enqueue_dma source(%arg6 : memref<128x128xf32, #tpu.memory_space<vmem>>) target(%dma_start3A_53 : memref<128x128xf32, #tpu.memory_space<vmem_shared>>) target_semaphore(%run_scoped3A : memref<!tpu.dma_semaphore, #tpu.memory_space<semaphore_mem>>)
      %dma_wait3A = arith.constant 0 : i32
      %dma_wait3A_54 = tpu.memref_slice %arg7[%add3A_7, %dma_wait3A] : memref<10112x128xf32, #tpu.memory_space<vmem_shared>> -> memref<128x128xf32, #tpu.memory_space<vmem_shared>>
      %dma_wait3A_55 = arith.constant 0 : i32
      %dma_wait3A_56 = tpu.memref_slice %arg7[%add3A_7, %dma_wait3A_55] : memref<10112x128xf32, #tpu.memory_space<vmem_shared>> -> memref<128x128xf32, #tpu.memory_space<vmem_shared>>
      tpu.wait_dma2 semaphore(%run_scoped3A : memref<!tpu.dma_semaphore, #tpu.memory_space<semaphore_mem>>) src(%arg6 : memref<128x128xf32, #tpu.memory_space<vmem>>) dst(%dma_wait3A_56 : memref<128x128xf32, #tpu.memory_space<vmem_shared>>)
      tpu.yield
    }) : () -> ()
    %mul3A_8 = arith.constant 632 : i32
    %mul3A_9 = arith.muli %arg1, %mul3A_8 : i32
    %add3A_10 = arith.constant 128 : i32
    %add3A_11 = arith.addi %mul3A_9, %add3A_10 : i32
    "tpu.region"() ({
      %run_scoped3A = tpu.sem_alloc : memref<!tpu.dma_semaphore, #tpu.memory_space<semaphore_mem>>
      %dma_start3A = arith.constant 0 : i32
      %dma_start3A_51 = tpu.memref_slice %arg7[%add3A_11, %dma_start3A] : memref<10112x128xf32, #tpu.memory_space<vmem_shared>> -> memref<128x128xf32, #tpu.memory_space<vmem_shared>>
      %dma_start3A_52 = arith.constant 0 : i32
      %dma_start3A_53 = tpu.memref_slice %arg7[%add3A_11, %dma_start3A_52] : memref<10112x128xf32, #tpu.memory_space<vmem_shared>> -> memref<128x128xf32, #tpu.memory_space<vmem_shared>>
      tpu.enqueue_dma source(%arg6 : memref<128x128xf32, #tpu.memory_space<vmem>>) target(%dma_start3A_53 : memref<128x128xf32, #tpu.memory_space<vmem_shared>>) target_semaphore(%run_scoped3A : memref<!tpu.dma_semaphore, #tpu.memory_space<semaphore_mem>>)
      %dma_wait3A = arith.constant 0 : i32
      %dma_wait3A_54 = tpu.memref_slice %arg7[%add3A_11, %dma_wait3A] : memref<10112x128xf32, #tpu.memory_space<vmem_shared>> -> memref<128x128xf32, #tpu.memory_space<vmem_shared>>
      %dma_wait3A_55 = arith.constant 0 : i32
      %dma_wait3A_56 = tpu.memref_slice %arg7[%add3A_11, %dma_wait3A_55] : memref<10112x128xf32, #tpu.memory_space<vmem_shared>> -> memref<128x128xf32, #tpu.memory_space<vmem_shared>>
      tpu.wait_dma2 semaphore(%run_scoped3A : memref<!tpu.dma_semaphore, #tpu.memory_space<semaphore_mem>>) src(%arg6 : memref<128x128xf32, #tpu.memory_space<vmem>>) dst(%dma_wait3A_56 : memref<128x128xf32, #tpu.memory_space<vmem_shared>>)
      tpu.yield
    }) : () -> ()
    %mul3A_12 = arith.constant 632 : i32
    %mul3A_13 = arith.muli %arg1, %mul3A_12 : i32
    %add3A_14 = arith.constant 256 : i32
    %add3A_15 = arith.addi %mul3A_13, %add3A_14 : i32
    "tpu.region"() ({
      %run_scoped3A = tpu.sem_alloc : memref<!tpu.dma_semaphore, #tpu.memory_space<semaphore_mem>>
      %dma_start3A = arith.constant 0 : i32
      %dma_start3A_51 = tpu.memref_slice %arg7[%add3A_15, %dma_start3A] : memref<10112x128xf32, #tpu.memory_space<vmem_shared>> -> memref<128x128xf32, #tpu.memory_space<vmem_shared>>
      %dma_start3A_52 = arith.constant 0 : i32
      %dma_start3A_53 = tpu.memref_slice %arg7[%add3A_15, %dma_start3A_52] : memref<10112x128xf32, #tpu.memory_space<vmem_shared>> -> memref<128x128xf32, #tpu.memory_space<vmem_shared>>
      tpu.enqueue_dma source(%arg6 : memref<128x128xf32, #tpu.memory_space<vmem>>) target(%dma_start3A_53 : memref<128x128xf32, #tpu.memory_space<vmem_shared>>) target_semaphore(%run_scoped3A : memref<!tpu.dma_semaphore, #tpu.memory_space<semaphore_mem>>)
      %dma_wait3A = arith.constant 0 : i32
      %dma_wait3A_54 = tpu.memref_slice %arg7[%add3A_15, %dma_wait3A] : memref<10112x128xf32, #tpu.memory_space<vmem_shared>> -> memref<128x128xf32, #tpu.memory_space<vmem_shared>>
      %dma_wait3A_55 = arith.constant 0 : i32
      %dma_wait3A_56 = tpu.memref_slice %arg7[%add3A_15, %dma_wait3A_55] : memref<10112x128xf32, #tpu.memory_space<vmem_shared>> -> memref<128x128xf32, #tpu.memory_space<vmem_shared>>
      tpu.wait_dma2 semaphore(%run_scoped3A : memref<!tpu.dma_semaphore, #tpu.memory_space<semaphore_mem>>) src(%arg6 : memref<128x128xf32, #tpu.memory_space<vmem>>) dst(%dma_wait3A_56 : memref<128x128xf32, #tpu.memory_space<vmem_shared>>)
      tpu.yield
    }) : () -> ()
    %mul3A_16 = arith.constant 632 : i32
    %mul3A_17 = arith.muli %arg1, %mul3A_16 : i32
    %add3A_18 = arith.constant 384 : i32
    %add3A_19 = arith.addi %mul3A_17, %add3A_18 : i32
    "tpu.region"() ({
      %run_scoped3A = tpu.sem_alloc : memref<!tpu.dma_semaphore, #tpu.memory_space<semaphore_mem>>
      %dma_start3A = arith.constant 0 : i32
      %dma_start3A_51 = tpu.memref_slice %arg7[%add3A_19, %dma_start3A] : memref<10112x128xf32, #tpu.memory_space<vmem_shared>> -> memref<128x128xf32, #tpu.memory_space<vmem_shared>>
      %dma_start3A_52 = arith.constant 0 : i32
      %dma_start3A_53 = tpu.memref_slice %arg7[%add3A_19, %dma_start3A_52] : memref<10112x128xf32, #tpu.memory_space<vmem_shared>> -> memref<128x128xf32, #tpu.memory_space<vmem_shared>>
      tpu.enqueue_dma source(%arg6 : memref<128x128xf32, #tpu.memory_space<vmem>>) target(%dma_start3A_53 : memref<128x128xf32, #tpu.memory_space<vmem_shared>>) target_semaphore(%run_scoped3A : memref<!tpu.dma_semaphore, #tpu.memory_space<semaphore_mem>>)
      %dma_wait3A = arith.constant 0 : i32
      %dma_wait3A_54 = tpu.memref_slice %arg7[%add3A_19, %dma_wait3A] : memref<10112x128xf32, #tpu.memory_space<vmem_shared>> -> memref<128x128xf32, #tpu.memory_space<vmem_shared>>
      %dma_wait3A_55 = arith.constant 0 : i32
      %dma_wait3A_56 = tpu.memref_slice %arg7[%add3A_19, %dma_wait3A_55] : memref<10112x128xf32, #tpu.memory_space<vmem_shared>> -> memref<128x128xf32, #tpu.memory_space<vmem_shared>>
      tpu.wait_dma2 semaphore(%run_scoped3A : memref<!tpu.dma_semaphore, #tpu.memory_space<semaphore_mem>>) src(%arg6 : memref<128x128xf32, #tpu.memory_space<vmem>>) dst(%dma_wait3A_56 : memref<128x128xf32, #tpu.memory_space<vmem_shared>>)
      tpu.yield
    }) : () -> ()
    %mul3A_20 = arith.constant 632 : i32
    %mul3A_21 = arith.muli %arg1, %mul3A_20 : i32
    %add3A_22 = arith.constant 512 : i32
    %add3A_23 = arith.addi %mul3A_21, %add3A_22 : i32
    "tpu.region"() ({
      %run_scoped3A = tpu.sem_alloc : memref<!tpu.dma_semaphore, #tpu.memory_space<semaphore_mem>>
      %dma_start3A = arith.constant 0 : i32
      %dma_start3A_51 = arith.constant 0 : i32
      %dma_start3A_52 = tpu.memref_slice %arg6[%dma_start3A, %dma_start3A_51] : memref<128x128xf32, #tpu.memory_space<vmem>> -> memref<120x128xf32, #tpu.memory_space<vmem>>
      %dma_start3A_53 = arith.constant 0 : i32
      %dma_start3A_54 = tpu.memref_slice %arg7[%add3A_23, %dma_start3A_53] : memref<10112x128xf32, #tpu.memory_space<vmem_shared>> -> memref<120x128xf32, #tpu.memory_space<vmem_shared>>
      %dma_start3A_55 = arith.constant 0 : i32
      %dma_start3A_56 = tpu.memref_slice %arg7[%add3A_23, %dma_start3A_55] : memref<10112x128xf32, #tpu.memory_space<vmem_shared>> -> memref<120x128xf32, #tpu.memory_space<vmem_shared>>
      %dma_start3A_57 = arith.constant 0 : i32
      %dma_start3A_58 = arith.constant 0 : i32
      %dma_start3A_59 = tpu.memref_slice %arg6[%dma_start3A_57, %dma_start3A_58] : memref<128x128xf32, #tpu.memory_space<vmem>> -> memref<120x128xf32, #tpu.memory_space<vmem>>
      tpu.enqueue_dma source(%dma_start3A_59 : memref<120x128xf32, #tpu.memory_space<vmem>>) target(%dma_start3A_56 : memref<120x128xf32, #tpu.memory_space<vmem_shared>>) target_semaphore(%run_scoped3A : memref<!tpu.dma_semaphore, #tpu.memory_space<semaphore_mem>>)
      %dma_wait3A = arith.constant 0 : i32
      %dma_wait3A_60 = arith.constant 0 : i32
      %dma_wait3A_61 = tpu.memref_slice %arg6[%dma_wait3A, %dma_wait3A_60] : memref<128x128xf32, #tpu.memory_space<vmem>> -> memref<120x128xf32, #tpu.memory_space<vmem>>
      %dma_wait3A_62 = arith.constant 0 : i32
      %dma_wait3A_63 = tpu.memref_slice %arg7[%add3A_23, %dma_wait3A_62] : memref<10112x128xf32, #tpu.memory_space<vmem_shared>> -> memref<120x128xf32, #tpu.memory_space<vmem_shared>>
      %dma_wait3A_64 = arith.constant 0 : i32
      %dma_wait3A_65 = tpu.memref_slice %arg7[%add3A_23, %dma_wait3A_64] : memref<10112x128xf32, #tpu.memory_space<vmem_shared>> -> memref<120x128xf32, #tpu.memory_space<vmem_shared>>
      %dma_wait3A_66 = arith.constant 0 : i32
      %dma_wait3A_67 = arith.constant 0 : i32
      %dma_wait3A_68 = tpu.memref_slice %arg6[%dma_wait3A_66, %dma_wait3A_67] : memref<128x128xf32, #tpu.memory_space<vmem>> -> memref<120x128xf32, #tpu.memory_space<vmem>>
      tpu.wait_dma2 semaphore(%run_scoped3A : memref<!tpu.dma_semaphore, #tpu.memory_space<semaphore_mem>>) src(%dma_wait3A_68 : memref<120x128xf32, #tpu.memory_space<vmem>>) dst(%dma_wait3A_65 : memref<120x128xf32, #tpu.memory_space<vmem_shared>>)
      tpu.yield
    }) : () -> ()
    %eq3A = arith.constant 0 : i32
    %eq3A_24 = arith.cmpi eq, %arg0, %eq3A : i32
    %mul3A_25 = arith.constant 107 : i32
    %mul3A_26 = arith.muli %arg1, %mul3A_25 : i32
    %mul3A_27 = arith.constant 50 : i32
    %mul3A_28 = arith.muli %arg1, %mul3A_27 : i32
    %add3A_29 = arith.constant 1712 : i32
    %add3A_30 = arith.addi %add3A_29, %mul3A_28 : i32
    %select_n3A = arith.select %eq3A_24, %mul3A_26, %add3A_30 : i32
    %eq3A_31 = arith.constant 0 : i32
    %eq3A_32 = arith.cmpi eq, %arg0, %eq3A_31 : i32
    %jit3A = arith.constant 107 : i32
    %jit3A_33 = arith.constant 50 : i32
    %select_n3A_34 = arith.select %eq3A_32, %jit3A, %jit3A_33 : i32
    "tpu.region"() ({
      %run_scoped3A = tpu.sem_alloc : memref<!tpu.dma_semaphore, #tpu.memory_space<semaphore_mem>>
      %dma_start3A = arith.constant 0 : i32
      %dma_start3A_51 = arith.constant 0 : i32
      %dma_start3A_52 = tpu.memref_slice %arg3[%select_n3A, %dma_start3A, %dma_start3A_51] : memref<2619x2x128xi32, #tpu.memory_space<hbm>> -> memref<107x2x128xi32, #tpu.memory_space<hbm>>
      %dma_start3A_53 = arith.constant 0 : i32
      %dma_start3A_54 = arith.constant 0 : i32
      %dma_start3A_55 = tpu.memref_slice %arg3[%select_n3A, %dma_start3A_53, %dma_start3A_54] : memref<2619x2x128xi32, #tpu.memory_space<hbm>> -> memref<107x2x128xi32, #tpu.memory_space<hbm>>
      tpu.enqueue_dma source(%dma_start3A_55 : memref<107x2x128xi32, #tpu.memory_space<hbm>>) target(%arg5 : memref<107x2x128xi32, #tpu.memory_space<vmem>>) target_semaphore(%run_scoped3A : memref<!tpu.dma_semaphore, #tpu.memory_space<semaphore_mem>>)
      %dma_wait3A = arith.constant 0 : i32
      %dma_wait3A_56 = arith.constant 0 : i32
      %dma_wait3A_57 = tpu.memref_slice %arg3[%select_n3A, %dma_wait3A, %dma_wait3A_56] : memref<2619x2x128xi32, #tpu.memory_space<hbm>> -> memref<107x2x128xi32, #tpu.memory_space<hbm>>
      %dma_wait3A_58 = arith.constant 0 : i32
      %dma_wait3A_59 = arith.constant 0 : i32
      %dma_wait3A_60 = tpu.memref_slice %arg3[%select_n3A, %dma_wait3A_58, %dma_wait3A_59] : memref<2619x2x128xi32, #tpu.memory_space<hbm>> -> memref<107x2x128xi32, #tpu.memory_space<hbm>>
      tpu.wait_dma2 semaphore(%run_scoped3A : memref<!tpu.dma_semaphore, #tpu.memory_space<semaphore_mem>>) src(%dma_wait3A_60 : memref<107x2x128xi32, #tpu.memory_space<hbm>>) dst(%arg5 : memref<107x2x128xi32, #tpu.memory_space<vmem>>)
      tpu.yield
    }) : () -> ()
    %barrier3A = arith.constant 0 : index
    tpu.barrier barrier_id(%barrier3A)
    %while3A = arith.constant 0 : i32
    %while3A_35 = arith.constant 0 : i32
    %while3A_36 = arith.subi %select_n3A_34, %while3A : i32
    %while3A_37 = arith.addi %while3A, %while3A_36 : i32
    %while3A_38 = arith.constant 1 : i32
    %while3A_39 = arith.divsi %while3A_36, %while3A_38 : i32
    %while3A_40 = arith.muli %while3A_39, %while3A_38 : i32
    %while3A_41 = arith.addi %while3A, %while3A_40 : i32
    %while3A_42 = arith.constant 1 : i32
    %while3A_43 = scf.for %while3A_51 = %while3A to %while3A_41 step %while3A_42 iter_args(%while3A_52 = %while3A_35) -> (i32)  : i32 {
      %dma_start3A = arith.constant 0 : i32
      %dma_start3A_53 = arith.constant 0 : i32
      %dma_start3A_54 = tpu.memref_slice %arg5[%while3A_51, %dma_start3A, %dma_start3A_53] : memref<107x2x128xi32, #tpu.memory_space<vmem>> -> memref<1x1x128xi32, #tpu.memory_space<vmem>>
      %dma_start3A_55 = tpu.memref_squeeze %dma_start3A_54 : memref<1x1x128xi32, #tpu.memory_space<vmem>> -> memref<128xi32, #tpu.memory_space<vmem>>
      %dma_start3A_56 = arith.constant 0 : i32
      %dma_start3A_57 = arith.constant 0 : i32
      %dma_start3A_58 = tpu.memref_slice %arg2[%dma_start3A_56, %dma_start3A_57] : memref<10000x128xf32, #tpu.memory_space<hbm>> -> memref<10000x128xf32, #tpu.memory_space<hbm>>
      tpu.enqueue_indirect_dma source(%dma_start3A_58 : memref<10000x128xf32, #tpu.memory_space<hbm>>) target(%arg6 : memref<128x128xf32, #tpu.memory_space<vmem>>) offsets(%dma_start3A_55 : memref<128xi32, #tpu.memory_space<vmem>>) semaphore(%arg8 : memref<!tpu.dma_semaphore, #tpu.memory_space<semaphore_mem>>)
      %dma_wait3A = arith.constant 0 : i32
      %dma_wait3A_59 = arith.constant 0 : i32
      %dma_wait3A_60 = tpu.memref_slice %arg5[%while3A_51, %dma_wait3A, %dma_wait3A_59] : memref<107x2x128xi32, #tpu.memory_space<vmem>> -> memref<1x1x128xi32, #tpu.memory_space<vmem>>
      %dma_wait3A_61 = tpu.memref_squeeze %dma_wait3A_60 : memref<1x1x128xi32, #tpu.memory_space<vmem>> -> memref<128xi32, #tpu.memory_space<vmem>>
      %dma_wait3A_62 = arith.constant 0 : i32
      %dma_wait3A_63 = arith.constant 0 : i32
      %dma_wait3A_64 = tpu.memref_slice %arg2[%dma_wait3A_62, %dma_wait3A_63] : memref<10000x128xf32, #tpu.memory_space<hbm>> -> memref<10000x128xf32, #tpu.memory_space<hbm>>
      tpu.wait_indirect_dma semaphore(%arg8 : memref<!tpu.dma_semaphore, #tpu.memory_space<semaphore_mem>>) src(%dma_wait3A_64 : memref<10000x128xf32, #tpu.memory_space<hbm>>) dst(%arg6 : memref<128x128xf32, #tpu.memory_space<vmem>>)
      %run_scoped3A = arith.constant 1 : i32
      "tpu.region"() ({
        %run_scoped3A_66 = tpu.sem_alloc : memref<!tpu.dma_semaphore, #tpu.memory_space<semaphore_mem>>
        %dma_start3A_67 = arith.constant 0 : i32
        %dma_start3A_68 = tpu.memref_slice %arg5[%while3A_51, %run_scoped3A, %dma_start3A_67] : memref<107x2x128xi32, #tpu.memory_space<vmem>> -> memref<1x1x128xi32, #tpu.memory_space<vmem>>
        %dma_start3A_69 = tpu.memref_squeeze %dma_start3A_68 : memref<1x1x128xi32, #tpu.memory_space<vmem>> -> memref<128xi32, #tpu.memory_space<vmem>>
        %dma_start3A_70 = arith.constant 0 : i32
        %dma_start3A_71 = arith.constant 0 : i32
        %dma_start3A_72 = tpu.memref_slice %arg7[%dma_start3A_70, %dma_start3A_71] : memref<10112x128xf32, #tpu.memory_space<vmem_shared>> -> memref<10112x128xf32, #tpu.memory_space<vmem_shared>>
        tpu.enqueue_indirect_dma source(%arg6 : memref<128x128xf32, #tpu.memory_space<vmem>>) target(%dma_start3A_72 : memref<10112x128xf32, #tpu.memory_space<vmem_shared>>) offsets(%dma_start3A_69 : memref<128xi32, #tpu.memory_space<vmem>>) semaphore(%run_scoped3A_66 : memref<!tpu.dma_semaphore, #tpu.memory_space<semaphore_mem>>) {add = true}
        %dma_wait3A_73 = arith.constant 0 : i32
        %dma_wait3A_74 = tpu.memref_slice %arg5[%while3A_51, %run_scoped3A, %dma_wait3A_73] : memref<107x2x128xi32, #tpu.memory_space<vmem>> -> memref<1x1x128xi32, #tpu.memory_space<vmem>>
        %dma_wait3A_75 = tpu.memref_squeeze %dma_wait3A_74 : memref<1x1x128xi32, #tpu.memory_space<vmem>> -> memref<128xi32, #tpu.memory_space<vmem>>
        %dma_wait3A_76 = arith.constant 0 : i32
        %dma_wait3A_77 = arith.constant 0 : i32
        %dma_wait3A_78 = tpu.memref_slice %arg7[%dma_wait3A_76, %dma_wait3A_77] : memref<10112x128xf32, #tpu.memory_space<vmem_shared>> -> memref<10112x128xf32, #tpu.memory_space<vmem_shared>>
        tpu.wait_indirect_dma semaphore(%run_scoped3A_66 : memref<!tpu.dma_semaphore, #tpu.memory_space<semaphore_mem>>) src(%arg6 : memref<128x128xf32, #tpu.memory_space<vmem>>) dst(%dma_wait3A_78 : memref<10112x128xf32, #tpu.memory_space<vmem_shared>>)
        tpu.yield
      }) : () -> ()
      %while3A_65 = arith.constant 0 : i32
      scf.yield %while3A_65 : i32
    }
    %while3A_44 = arith.constant 1 : i32
    %while3A_45 = scf.for %while3A_51 = %while3A_41 to %while3A_37 step %while3A_44 iter_args(%while3A_52 = %while3A_43) -> (i32)  : i32 {
      %dma_start3A = arith.constant 0 : i32
      %dma_start3A_53 = arith.constant 0 : i32
      %dma_start3A_54 = tpu.memref_slice %arg5[%while3A_51, %dma_start3A, %dma_start3A_53] : memref<107x2x128xi32, #tpu.memory_space<vmem>> -> memref<1x1x128xi32, #tpu.memory_space<vmem>>
      %dma_start3A_55 = tpu.memref_squeeze %dma_start3A_54 : memref<1x1x128xi32, #tpu.memory_space<vmem>> -> memref<128xi32, #tpu.memory_space<vmem>>
      %dma_start3A_56 = arith.constant 0 : i32
      %dma_start3A_57 = arith.constant 0 : i32
      %dma_start3A_58 = tpu.memref_slice %arg2[%dma_start3A_56, %dma_start3A_57] : memref<10000x128xf32, #tpu.memory_space<hbm>> -> memref<10000x128xf32, #tpu.memory_space<hbm>>
      tpu.enqueue_indirect_dma source(%dma_start3A_58 : memref<10000x128xf32, #tpu.memory_space<hbm>>) target(%arg6 : memref<128x128xf32, #tpu.memory_space<vmem>>) offsets(%dma_start3A_55 : memref<128xi32, #tpu.memory_space<vmem>>) semaphore(%arg8 : memref<!tpu.dma_semaphore, #tpu.memory_space<semaphore_mem>>)
      %dma_wait3A = arith.constant 0 : i32
      %dma_wait3A_59 = arith.constant 0 : i32
      %dma_wait3A_60 = tpu.memref_slice %arg5[%while3A_51, %dma_wait3A, %dma_wait3A_59] : memref<107x2x128xi32, #tpu.memory_space<vmem>> -> memref<1x1x128xi32, #tpu.memory_space<vmem>>
      %dma_wait3A_61 = tpu.memref_squeeze %dma_wait3A_60 : memref<1x1x128xi32, #tpu.memory_space<vmem>> -> memref<128xi32, #tpu.memory_space<vmem>>
      %dma_wait3A_62 = arith.constant 0 : i32
      %dma_wait3A_63 = arith.constant 0 : i32
      %dma_wait3A_64 = tpu.memref_slice %arg2[%dma_wait3A_62, %dma_wait3A_63] : memref<10000x128xf32, #tpu.memory_space<hbm>> -> memref<10000x128xf32, #tpu.memory_space<hbm>>
      tpu.wait_indirect_dma semaphore(%arg8 : memref<!tpu.dma_semaphore, #tpu.memory_space<semaphore_mem>>) src(%dma_wait3A_64 : memref<10000x128xf32, #tpu.memory_space<hbm>>) dst(%arg6 : memref<128x128xf32, #tpu.memory_space<vmem>>)
      %run_scoped3A = arith.constant 1 : i32
      "tpu.region"() ({
        %run_scoped3A_66 = tpu.sem_alloc : memref<!tpu.dma_semaphore, #tpu.memory_space<semaphore_mem>>
        %dma_start3A_67 = arith.constant 0 : i32
        %dma_start3A_68 = tpu.memref_slice %arg5[%while3A_51, %run_scoped3A, %dma_start3A_67] : memref<107x2x128xi32, #tpu.memory_space<vmem>> -> memref<1x1x128xi32, #tpu.memory_space<vmem>>
        %dma_start3A_69 = tpu.memref_squeeze %dma_start3A_68 : memref<1x1x128xi32, #tpu.memory_space<vmem>> -> memref<128xi32, #tpu.memory_space<vmem>>
        %dma_start3A_70 = arith.constant 0 : i32
        %dma_start3A_71 = arith.constant 0 : i32
        %dma_start3A_72 = tpu.memref_slice %arg7[%dma_start3A_70, %dma_start3A_71] : memref<10112x128xf32, #tpu.memory_space<vmem_shared>> -> memref<10112x128xf32, #tpu.memory_space<vmem_shared>>
        tpu.enqueue_indirect_dma source(%arg6 : memref<128x128xf32, #tpu.memory_space<vmem>>) target(%dma_start3A_72 : memref<10112x128xf32, #tpu.memory_space<vmem_shared>>) offsets(%dma_start3A_69 : memref<128xi32, #tpu.memory_space<vmem>>) semaphore(%run_scoped3A_66 : memref<!tpu.dma_semaphore, #tpu.memory_space<semaphore_mem>>) {add = true}
        %dma_wait3A_73 = arith.constant 0 : i32
        %dma_wait3A_74 = tpu.memref_slice %arg5[%while3A_51, %run_scoped3A, %dma_wait3A_73] : memref<107x2x128xi32, #tpu.memory_space<vmem>> -> memref<1x1x128xi32, #tpu.memory_space<vmem>>
        %dma_wait3A_75 = tpu.memref_squeeze %dma_wait3A_74 : memref<1x1x128xi32, #tpu.memory_space<vmem>> -> memref<128xi32, #tpu.memory_space<vmem>>
        %dma_wait3A_76 = arith.constant 0 : i32
        %dma_wait3A_77 = arith.constant 0 : i32
        %dma_wait3A_78 = tpu.memref_slice %arg7[%dma_wait3A_76, %dma_wait3A_77] : memref<10112x128xf32, #tpu.memory_space<vmem_shared>> -> memref<10112x128xf32, #tpu.memory_space<vmem_shared>>
        tpu.wait_indirect_dma semaphore(%run_scoped3A_66 : memref<!tpu.dma_semaphore, #tpu.memory_space<semaphore_mem>>) src(%arg6 : memref<128x128xf32, #tpu.memory_space<vmem>>) dst(%dma_wait3A_78 : memref<10112x128xf32, #tpu.memory_space<vmem_shared>>)
        tpu.yield
      }) : () -> ()
      %while3A_65 = arith.constant 0 : i32
      scf.yield %while3A_65 : i32
    }
    %barrier3A_46 = arith.constant 0 : index
    tpu.barrier barrier_id(%barrier3A_46)
    %mul3A_47 = arith.constant 632 : i32
    %mul3A_48 = arith.muli %arg1, %mul3A_47 : i32
    %mul3A_49 = arith.constant 632 : i32
    %mul3A_50 = arith.muli %arg1, %mul3A_49 : i32
    "tpu.region"() ({
      %run_scoped3A = tpu.sem_alloc : memref<!tpu.dma_semaphore, #tpu.memory_space<semaphore_mem>>
      %dma_start3A = arith.constant 0 : i32
      %dma_start3A_51 = tpu.memref_slice %arg4[%arg0, %mul3A_50, %dma_start3A] : memref<2x10112x128xf32, #tpu.memory_space<hbm>> -> memref<1x632x128xf32, #tpu.memory_space<hbm>>
      %dma_start3A_52 = tpu.memref_squeeze %dma_start3A_51 : memref<1x632x128xf32, #tpu.memory_space<hbm>> -> memref<632x128xf32, #tpu.memory_space<hbm>>
      %dma_start3A_53 = arith.constant 0 : i32
      %dma_start3A_54 = tpu.memref_slice %arg7[%mul3A_48, %dma_start3A_53] : memref<10112x128xf32, #tpu.memory_space<vmem_shared>> -> memref<632x128xf32, #tpu.memory_space<vmem_shared>>
      tpu.enqueue_dma source(%dma_start3A_54 : memref<632x128xf32, #tpu.memory_space<vmem_shared>>) target(%dma_start3A_52 : memref<632x128xf32, #tpu.memory_space<hbm>>) target_semaphore(%run_scoped3A : memref<!tpu.dma_semaphore, #tpu.memory_space<semaphore_mem>>)
      %dma_wait3A = arith.constant 0 : i32
      %dma_wait3A_55 = tpu.memref_slice %arg4[%arg0, %mul3A_50, %dma_wait3A] : memref<2x10112x128xf32, #tpu.memory_space<hbm>> -> memref<1x632x128xf32, #tpu.memory_space<hbm>>
      %dma_wait3A_56 = tpu.memref_squeeze %dma_wait3A_55 : memref<1x632x128xf32, #tpu.memory_space<hbm>> -> memref<632x128xf32, #tpu.memory_space<hbm>>
      %dma_wait3A_57 = arith.constant 0 : i32
      %dma_wait3A_58 = tpu.memref_slice %arg7[%mul3A_48, %dma_wait3A_57] : memref<10112x128xf32, #tpu.memory_space<vmem_shared>> -> memref<632x128xf32, #tpu.memory_space<vmem_shared>>
      tpu.wait_dma2 semaphore(%run_scoped3A : memref<!tpu.dma_semaphore, #tpu.memory_space<semaphore_mem>>) src(%dma_wait3A_58 : memref<632x128xf32, #tpu.memory_space<vmem_shared>>) dst(%dma_wait3A_56 : memref<632x128xf32, #tpu.memory_space<hbm>>)
      tpu.yield
    }) : () -> ()
    return
  }
}

</mosaic_0001>

<sc_bundles>
// kernel: _sc_agg.3.cloned.1.call-start
scs
__scs_entry_jumppad:
0x0: {  	(pc) =	sbr.rel $0x88, $3  }
0x1: {  	(tag) =	ssettag $0x0;
	lr =	simm.s32 $0x1  }
0x2: {  	[smem:$0x3F9F] =	sst lr;
	_ =	strace $0xD0000000  }
0x3: {  	_ = 	snop  }
0x4: {  	_ = 	snop  }
0x5: {  	_ = 	snop  }
0x6: {  	_ = 	snop  }
0x7: {  	_ = 	snop  }
__scs_overlays_trampoline_lowered:
0x8: {  	[smem:$0x3FAE] =	sst s0  }
0x9: {  	[smem:$0x3FAF] =	sst s1  }
0xa: {  	[smem:$0x3FB0] =	sst s2  }
0xb: {  	[smem:$0x3FB1] =	sst s3  }
0xc: {  	[smem:$0x3FB2] =	sst s4  }
0xd: {  	[smem:$0x3FB3] =	sst s5  }
0xe: {  	[smem:$0x3FB4] =	sst s6  }
0xf: {  	[smem:$0x3FB5] =	sst s7  }
0x10: {  	[smem:$0x3FB6] =	sst s8  }
0x11: {  	[smem:$0x3FB7] =	sst s9;
	s0 =	simm.s32 @!p0 $0x0  }
0x12: {  	s1 =	sld [smem:$0x3F9D];
	s0 =	simm.s32 @p0 $0x1  }
0x13: {  	[smem:$0x3FB8] =	sst s0;
	s0 =	simm.s32 @!p1 $0x0  }
0x14: {  	s2 =	sld [smem:$0x3F9C];
	s0 =	simm.s32 @p1 $0x1  }
0x15: {  	[smem:$0x3FB9] =	sst s0;
	s0 =	simm.s32 @!p2 $0x0  }
0x16: {  	s3 =	sld [smem:$0x3FDB];
	s0 =	simm.s32 @p2 $0x1  }
0x17: {  	s4 =	simm.s32 $0x1BF5;
	[smem:$0x3FBB] =	sst s0  }
0x18: {  	s0 =	sld [smem:$0x3F9E];
	_ =	swait.ge [sflag:s4], $0x0  }
0x19: {  	s7 =	sld [smem:$0x3F9F]  }
0x1a: {  	s8 =	sadd.s32 $0xFFFFE003, lr  }
0x1b: {  	s9 =	sadd.s32 $0xFFFFFEF7, lr;
	s5 =	simm.s32 $0xFFFFFFFF;
	p2 =	slt.u32 s8, $0xFFFFF086  }
0x1c: {  	p1 =	slt.u32 s9, $0xF7A;
	s5 =	simm.s32 @!p2 $0x0  }
0x1d: {  	s5 =	simm.s32 @p1 $0x1;
	p0 =	seq.s32 s7, s2  }
0x1e: {  	s7 =	smul.u32 @!p0 $0xF7A, s2;
	p2 =	seq.s32 @!p0 s5, $0x0  }
0x1f: {  	s9 =	smul.u32 $0xF7A, s1;
	s8 =	simm.s32 @!p0 $0x1BF5;
	p2 =	por !p2, p0  }
0x20: {  	[sflag:s8] =	ssyncset.s32 @!p0 $0xFFFFF086;
	s6 =	sadd.s32 @!p0 s3, s7;
	s7 =	simm.s32 @!p0 $0x108  }
0x21: {  	s3 =	sadd.s32 s3, s9;
	s6 =	sadd.s32 @!p0 $0x88, s6;
	s7 =	simm.s32 @p2 $0x1082  }
0x22: {  	[simem:s7], [sflag:s8] =	dma.local @!p0 [hbm:s6], $0xF7A  }
0x23: {  	s9 =	sor.u32 $0xD0000000, s2;
	s6 =	simm.s32 $0x108;
	_ =	swait.ge @!p0 [sflag:s8], $0x0  }
0x24: {  	s3 =	sadd.s32 $0x88, s3;
	s6 =	simm.s32 @!p1 $0x1082;
	[sflag:s4] =	ssyncset.s32 $0xFFFFF086  }
0x25: {  	[simem:s6], [sflag:s4] =	dma.local [hbm:s3], $0xF7A  }
0x26: {  	[smem:$0x3F9F] =	sst s1;
	(tag) =	ssettag s2;
	_ =	strace s9  }
0x27: {  	s1 =	sld [smem:$0x3FAF]  }
0x28: {  	s2 =	sld [smem:$0x3FB0]  }
0x29: {  	s4 =	sld [smem:$0x3FB2]  }
0x2a: {  	p0 =	seq.s32 s5, $0x0;
	s5 =	sld [smem:$0x3FB3]  }
0x2b: {  	s6 =	sld [smem:$0x3FB4]  }
0x2c: {  	s7 =	sld [smem:$0x3FB5]  }
0x2d: {  	s3 =	simm.s32 $0x108;
	s8 =	sld [smem:$0x3FB6]  }
0x2e: {  	s3 =	simm.s32 @!p0 $0x1082;
	s9 =	sld [smem:$0x3FB7]  }
0x2f: {  	lr =	sadd.s32 s0, s3;
	s0 =	sld [smem:$0x3FAE]  }
0x30: {  	s3 =	sld [smem:$0x3FB1]  }
0x31: {  	[smem:$0x3FBA] =	sst s10  }
0x32: {  	s10 =	sld [smem:$0x3FB8];
	_ =	sdelay $0x3  }
0x33: {  	p0 =	seq.s32 s10, $0x1;
	s10 =	sld [smem:$0x3FBA];
	_ =	sdelay $0x3  }
0x34: {  	[smem:$0x3FBA] =	sst s10  }
0x35: {  	s10 =	sld [smem:$0x3FB9];
	_ =	sdelay $0x3  }
0x36: {  	p1 =	seq.s32 s10, $0x1;
	s10 =	sld [smem:$0x3FBA];
	_ =	sdelay $0x3  }
0x37: {  	[smem:$0x3FBA] =	sst s10  }
0x38: {  	s10 =	sld [smem:$0x3FBB]  }
0x39: {  	_ = 	snop;
	(pc) =	sbr.ind lr, $3  }
0x3a: {  	_ = 	snop  }
0x3b: {  	_ = 	snop  }
0x3c: {  	p2 =	seq.s32 s10, $0x1;
	s10 =	sld [smem:$0x3FBA]  }
0x3d: {  	_ =	shalt  }
0x3e: {  	_ =	shalt  }
0x3f: {  	_ =	shalt  }
0x40: {  	_ =	shalt  }
0x41: {  	_ =	shalt  }
0x42: {  	_ =	shalt  }
0x43: {  	_ =	shalt  }
0x44: {  	_ =	shalt  }
0x45: {  	_ =	shalt  }
0x46: {  	_ =	shalt  }
0x47: {  	_ =	shalt  }
0x48: {  	_ =	shalt  }
0x49: {  	_ =	shalt  }
0x4a: {  	_ =	shalt  }
0x4b: {  	_ =	shalt  }
0x4c: {  	_ =	shalt  }
0x4d: {  	_ =	shalt  }
0x4e: {  	_ =	shalt  }
0x4f: {  	_ =	shalt  }
0x50: {  	_ =	shalt  }
0x51: {  	_ =	shalt  }
0x52: {  	_ =	shalt  }
0x53: {  	_ =	shalt  }
0x54: {  	_ =	shalt  }
0x55: {  	_ =	shalt  }
0x56: {  	_ =	shalt  }
0x57: {  	_ =	shalt  }
0x58: {  	_ =	shalt  }
0x59: {  	_ =	shalt  }
0x5a: {  	_ =	shalt  }
0x5b: {  	_ =	shalt  }
0x5c: {  	_ =	shalt  }
0x5d: {  	_ =	shalt  }
0x5e: {  	_ =	shalt  }
0x5f: {  	_ =	shalt  }
0x60: {  	_ =	shalt  }
0x61: {  	_ =	shalt  }
0x62: {  	_ =	shalt  }
0x63: {  	_ =	shalt  }
0x64: {  	_ =	shalt  }
0x65: {  	_ =	shalt  }
0x66: {  	_ =	shalt  }
0x67: {  	_ =	shalt  }
0x68: {  	_ =	shalt  }
0x69: {  	_ =	shalt  }
0x6a: {  	_ =	shalt  }
0x6b: {  	_ =	shalt  }
0x6c: {  	_ =	shalt  }
0x6d: {  	_ =	shalt  }
0x6e: {  	_ =	shalt  }
0x6f: {  	_ =	shalt  }
0x70: {  	_ =	shalt  }
0x71: {  	_ =	shalt  }
0x72: {  	_ =	shalt  }
0x73: {  	_ =	shalt  }
0x74: {  	_ =	shalt  }
0x75: {  	_ =	shalt  }
0x76: {  	_ =	shalt  }
0x77: {  	_ =	shalt  }
0x78: {  	_ =	shalt  }
0x79: {  	_ =	shalt  }
0x7a: {  	_ =	shalt  }
0x7b: {  	_ =	shalt  }
0x7c: {  	_ =	shalt  }
0x7d: {  	_ =	shalt  }
0x7e: {  	_ =	shalt  }
0x7f: {  	_ =	shalt  }
0x80: {  	_ =	shalt  }
0x81: {  	_ =	shalt  }
0x82: {  	_ =	shalt  }
0x83: {  	_ =	shalt  }
0x84: {  	_ =	shalt  }
0x85: {  	_ =	shalt  }
0x86: {  	_ =	shalt  }
0x87: {  	_ =	shalt  }
.Lfunc_end0:
.L_simem_size_0:
called_computation_lowered:
.L_overlay_start_0:
0x88: {  	s2 =	sld [smem:$0x3FD9]  }
0x89: {  	s3 =	sld [smem:$0x3FFE];
	_ =	sdelay $0x1  }
0x8a: {  	s1 =	srdreg.scid  }
0x8b: {  	s0 =	sand.u32 $0x1, s1  }
0x8c: {  	s18 =	sshll.u32 s0, $0xA;
	s2 =	sadd.s32 s3, s2  }
0x8d: {  	s2 =	sadd.s32 s2, s18  }
0x8e: {  	[smem:$0x3FC6] =	sst s2  }
0x8f: {  	_ = 	snop  }
0x90: {  	s2 =	sld [smem:$0x3FC9]  }
0x91: {  	s19 =	sld [smem:$0x3FC8]  }
0x92: {  	s4 =	sld [smem:$0x3FD0];
	(tm) =	ssettm $0x1  }
0x93: {  	s5 =	sld [smem:$0x3FFB];
	_ =	sdelay $0x3  }
0x94: {  	_ =	strace s5  }
0x95: {  	s5 =	sld [smem:$0x3FFC];
	_ =	sdelay $0x3  }
0x96: {  	_ =	strace s5  }
0x97: {  	s5 =	sld [smem:$0x3FFD];
	_ =	sdelay $0x3  }
0x98: {  	_ =	strace s5  }
0x99: {  	_ =	strace $0x8FFFFFFF  }
0x9a: {  	s20 =	sld [smem:$0x3FDB];
	_ =	sdelay $0x1  }
0x9b: {  	s6 =	simm.s32 $_scs_section_size  }
0x9c: {  	s7 =	simm.s32 $_size__tile_overlayer_lowered;
	s8 =	simm.s32 $_tile_overlayer_lowered  }
0x9d: {  	s23 =	simm.s32 $0x1BFF;
	s22 =	sshll.u32 s8, $0x1;
	s5 =	sadd.s32 s6, s20  }
0x9e: {  	s9 =	simm.s32 $0x0;
	s21 =	sshll.u32 s7, $0x1;
	s7 =	sadd.s32 s22, s5  }
0x9f: {  	[timem:s9], [sflag:s23] =	dma.local [hbm:s7], s21  }
0xa0: {  	_ =	swait.ge [sflag:s23], s21  }
0xa1: {  	s6 =	ssub.s32 $0x0, s21;
	[sflag:s23] =	ssyncset.done $0x0  }
0xa2: {  	[sflag:s23] =	ssyncadd.s32 s6;
	_ =	sdelay $0x1  }
0xa3: {  	s24 =	simm.s32 $0x1B8B  }
0xa4: {  	_ =	swait.ge [sflag:s24], $0x1  }
0xa5: {  	[sflag:s24] =	ssyncset.done $0x0  }
0xa6: {  	s25 =	simm.s32 $0x1B8E;
	[sflag:s24] =	ssyncadd.s32 $0xFFFFFFFF  }
0xa7: {  	s26 =	simm.s32 $execute0_lowered;
	[smem:$0x3FD2] =	sst s25  }
0xa8: {  	s6 =	sshll.u32 s26, $0x1;
	_ =	strace $0x80000046;
	[dreg:$0x1] =	wrdreg $0xFFFFFFFF  }
0xa9: {  	s28 =	simm.s32 $_size_execute0_lowered;
	s5 =	sadd.s32 s5, s6;
	[dreg:$0x0] =	wrdreg $0x0  }
0xaa: {  	s6 =	sshll.u32 s28, $0x1;
	[dreg:$0x2] =	wrdreg s5  }
0xab: {  	[dreg:$0x3] =	wrdreg s6  }
0xac: {  	[dreg:$0x4] =	wrdreg $0xC0  }
0xad: {  	_ =	task [dreg:s9], $0x5FFFF  }
0xae: {  	[dreg:$0x1] =	wrdreg $0xFFFFFFFF  }
0xaf: {  	[dreg:$0x0] =	wrdreg $0x60  }
0xb0: {  	[dreg:$0x2] =	wrdreg s2  }
0xb1: {  	[dreg:$0x3] =	wrdreg s19  }
0xb2: {  	[dreg:$0x4] =	wrdreg s4  }
0xb3: {  	[dreg:$0x5] =	wrdreg $0xAB000  }
0xb4: {  	[dreg:$0x6] =	wrdreg $0x9  }
0xb5: {  	_ =	task.clear_ibuf [dreg:s9], $0x7FFFF;
	_ =	strace $0x90000046  }
0xb6: {  	s29 =	simm.s32 $0x9;
	_ =	strace $0x80000048  }
0xb7: {  	_ =	swait.ge [sflag:s29], $0x1  }
0xb8: {  	[sflag:s29] =	ssyncadd.s32 $0xFFFFFFFF  }
0xb9: {  	_ =	strace $0x90000048  }
0xba: {  	_ =	sfence  }
0xbb: {  	s30 =	sld [smem:$0x0];
	_ =	sdelay $0x2  }
0xbc: {  	s31 =	sshll.u32 s1, $0xD;
	s1 =	sshrl.u32 s1, $0x2  }
0xbd: {  	s3 =	sand.u32 $0x4000, s31;
	s1 =	sadd.s32 s1, s30  }
0xbe: {  	s0 =	sor.u32 s3, s0;
	s1 =	sshll.u32 s1, $0x11  }
0xbf: {  	s0 =	sor.u32 s1, s0  }
0xc0: {  	s0 =	sadd.s32 $0x8F2B, s0  }
0xc1: {  	[sflag:s0] =	ssyncadd.remote.s32 $0x1  }
0xc2: {  	_ =	sfence.sel $0xFFFF  }
0xc3: {  	[dreg:$0x0] =	wrdreg $0xFFFFFFFF;
	(pc) =	sbr.abs _section_cstart, $3  }
0xc4: {  	[dreg:$0x1] =	wrdreg $0xFFFFFFFF  }
0xc5: {  	_ =	task.clear_ibuf [dreg:s9], $0x2FFFF;
	_ =	strace $0x9FFFFFFF  }
0xc6: {  	(tm) =	ssettm $0x7FFFFFFF  }
0xc7: {  	_ =	shalt  }
tec
execute0_lowered:
.L_overlay_start_1:
0x0: {  	(tag) =	ssettag $0x1  }
0x1: {  	s1 =	rddreg [dreg:$0x0]  }
0x2: {  	s11 =	rddreg [dreg:$0x1]  }
0x3: {  	s12 =	rddreg [dreg:$0x2]  }
0x4: {  	s3 =	rddreg [dreg:$0x3];
	s2 =	stileid.u32  }
0x5: {  	s0 =	rddreg [dreg:$0x4];
	s31 =	smul.u32 $0x4F000, s2  }
0x6: {  	s4 =	simm.s32 $0x0;
	s5 =	srdreg.scid;
	s10 =	smul.u32 $0x6B, s2  }
0x7: {  	s17 =	simm.s32 $0x1;
	[smem:$0x7FF] =	sst s4;
	s9 =	smul.u32 $0x32, s2  }
0x8: {  	s8 =	sand.u32 $0x1, s5;
	s16 =	smul.u32 $0x13C00, s2;
	s18 =	sshll.u32 s2, $0x6  }
0x9: {  	_ =	strace $0x80000047;
	s6 =	ssub.s32 $0x2, s8;
	s14 =	smul.u32 $0x13C000, s8  }
0xa: {  	p0 =	seq.s32 s8, $0x0;
	s18 =	sor.u32 $0x1C02, s18;
	s7 =	sshrl.u32 s6, $0x1  }
0xb: {  	s5 =	sshrl.u32 s31, $0x2;
	s15 =	sadd.s32 $0x6B0, s9;
	s13 =	ssub.s32 s6, s7  }
0xc: {  	s5 =	sadd.s32 s5, s3;
	s15 =	smov.u32 @p0 s10;
	s10 =	simm.s32 $0x6B  }
0xd: {  	s14 =	sadd.s32 s16, s14;
	s16 =	simm.s32 $0x80;
	s6 =	sadd.s32 $0x4000, s5  }
0xe: {  	s7 =	sadd.s32 $0x8000, s5;
	s8 =	sadd.s32 $0xC000, s5;
	s9 =	sadd.s32 $0x10000, s5  }
0xf: {  	s15 =	sshll.u32 s15, $0x5;
	s10 =	simm.s32 @!p0 $0x32;
	s14 =	sshrl.u32 s14, $0x3  }
0x10: {  	s13 =	smax.u32 s13, $0x1;
	s19 =	sshrl.u32 s5, $0x3;
	s11 =	sadd.s32 s11, s15  }
0x11: {  	v0 =	vimm.f32 $0.0e+00;
	s12 =	sadd.s32 s12, s14;
	s14 =	simm.s32 $0x6B00;
	s15 =	simm.s32 $0x2  }
.LBB2_1:
0x12: {  	s20 =	simm.s32 $0x0;
	s21 =	simm.s32 $0x200  }
.LBB2_2:
0x13: {  	p0 =	sne.s32 s21, $0xFE00;
	[tilespmem:s20+$0x6B70] =	vst v0  }
0x14: {  	[tilespmem:s20+$0x6B00] =	vst v0  }
0x15: {  	[tilespmem:s20+$0x6B10] =	vst v0  }
.Ltmp0:
0x16: {  	[tilespmem:s20+$0x6B20] =	vst v0;
	(pc) =	sbr.rel @p0 .LBB2_2-.Ltmp0, $4  }
0x17: {  	[tilespmem:s20+$0x6B30] =	vst v0  }
0x18: {  	[tilespmem:s20+$0x6B40] =	vst v0  }
0x19: {  	[tilespmem:s20+$0x6B50] =	vst v0  }
0x1a: {  	[tilespmem:s20+$0x6B60] =	vst v0;
	s20 =	sshra.s32 s21, $0x2;
	s21 =	sadd.s32 $0x200, s21  }
0x1b: {  	[tilespmem:s20+$0x6B70] =	vst v0  }
0x1c: {  	[tilespmem:s20+$0x6B00] =	vst v0  }
0x1d: {  	[tilespmem:s20+$0x6B10] =	vst v0  }
0x1e: {  	[tilespmem:s20+$0x6B20] =	vst v0  }
0x1f: {  	[tilespmem:s20+$0x6B30] =	vst v0  }
0x20: {  	[tilespmem:s20+$0x6B40] =	vst v0  }
0x21: {  	[tilespmem:s20+$0x6B50] =	vst v0  }
0x22: {  	[tilespmem:s20+$0x6B60] =	vst v0  }
0x23: {  	[spmem:s5] =	stream.linear.scatter [tilespmem:s14], [sflag:$0x2], $0x4000, $0x38;
	[tilespmem:$0x1E700] =	vst v63  }
0x24: {  	_ =	swait.ge [sflag:s15], $0x4000  }
0x25: {  	[sflag:s15] =	ssyncset.done $0x0  }
0x26: {  	[sflag:s15] =	ssyncadd.s32 $0xFFFFC000  }
0x27: {  	[spmem:s6] =	stream.linear.scatter [tilespmem:s14], [sflag:$0x2], $0x4000, $0x38;
	[tilespmem:$0x1E700] =	vst v63  }
0x28: {  	_ =	swait.ge [sflag:s15], $0x4000  }
0x29: {  	[sflag:s15] =	ssyncset.done $0x0  }
0x2a: {  	[sflag:s15] =	ssyncadd.s32 $0xFFFFC000  }
0x2b: {  	[spmem:s7] =	stream.linear.scatter [tilespmem:s14], [sflag:$0x2], $0x4000, $0x38;
	[tilespmem:$0x1E700] =	vst v63  }
0x2c: {  	_ =	swait.ge [sflag:s15], $0x4000  }
0x2d: {  	[sflag:s15] =	ssyncset.done $0x0  }
0x2e: {  	[sflag:s15] =	ssyncadd.s32 $0xFFFFC000  }
0x2f: {  	[spmem:s8] =	stream.linear.scatter [tilespmem:s14], [sflag:$0x2], $0x4000, $0x38;
	[tilespmem:$0x1E700] =	vst v63  }
0x30: {  	_ =	swait.ge [sflag:s15], $0x4000  }
0x31: {  	[sflag:s15] =	ssyncset.done $0x0  }
0x32: {  	[sflag:s15] =	ssyncadd.s32 $0xFFFFC000  }
0x33: {  	[spmem:s9] =	stream.linear.scatter [tilespmem:s14], [sflag:$0x2], $0x3C00, $0x38;
	[tilespmem:$0x1E700] =	vst v63  }
0x34: {  	_ =	swait.ge [sflag:s15], $0x3C00  }
0x35: {  	[sflag:s15] =	ssyncset.done $0x0  }
0x36: {  	s20 =	simm.s32 $0x0;
	[sflag:s15] =	ssyncadd.s32 $0xFFFFC400  }
0x37: {  	[tilespmem:s20], [sflag:$0x2] =	stream.linear.gather [hbm4b:s11+s20], $0x6B00, $0x38;
	[tilespmem:$0x1E700] =	vst v63  }
0x38: {  	_ =	swait.ge [sflag:s15], $0x6B00  }
0x39: {  	[sflag:s15] =	ssyncset.done $0x0  }
0x3a: {  	[sflag:s15] =	ssyncadd.s32 $0xFFFF9500  }
0x3b: {  	[bflag:$0x0] =	sbarrier.arrive $0xFFFF  }
0x3c: {  	[tilespmem:s14], [sflag:$0x1] =	stream.indirect.gather [hbm4b:s1+s16], $0x80, s20, s16, $0xb8;
	[tilespmem:$0x1E700] =	vst v63  }
0x3d: {  	p0 =	sne.s32 s10, $0x1;
	_ =	swait.ge [sflag:s17], $0x4000  }
.Ltmp1:
0x3e: {  	[sflag:s17] =	ssyncset.done $0x0;
	(pc) =	sbr.rel @!p0 .LBB2_5-.Ltmp1, $4  }
0x3f: {  	s21 =	simm.s32 $0x80;
	[sflag:s17] =	ssyncadd.s32 $0xFFFFC000  }
0x40: {  	[spmem:s3] =	stream.indirect.scatter.add.f32 [tilespmem:s14], [sflag:$0x2], $0x80, s21, s16, $0xb8;
	[tilespmem:$0x1E700] =	vst v63  }
0x41: {  	_ =	swait.ge [sflag:s15], $0x4000  }
0x42: {  	s21 =	sadd.s32 $0xFFFFFFFF, s10;
	[sflag:s15] =	ssyncset.done $0x0  }
.LBB2_4:
0x43: {  	p0 =	sne.s32 s21, $0x1;
	[sflag:s15] =	ssyncadd.s32 $0xFFFFC000;
	s20 =	sadd.s32 $0x100, s20  }
0x44: {  	[tilespmem:s14], [sflag:$0x1] =	stream.indirect.gather [hbm4b:s1+s16], $0x80, s20, s16, $0xb8;
	[tilespmem:$0x1E700] =	vst v63  }
0x45: {  	s21 =	sadd.s32 $0xFFFFFFFF, s21;
	_ =	swait.ge [sflag:s17], $0x4000  }
.Ltmp2:
0x46: {  	[sflag:s17] =	ssyncset.done $0x0;
	(pc) =	sbr.rel @p0 .LBB2_4-.Ltmp2, $4  }
0x47: {  	s22 =	sadd.s32 $0x80, s20;
	[sflag:s17] =	ssyncadd.s32 $0xFFFFC000  }
0x48: {  	[spmem:s3] =	stream.indirect.scatter.add.f32 [tilespmem:s14], [sflag:$0x2], $0x80, s22, s16, $0xb8;
	[tilespmem:$0x1E700] =	vst v63  }
0x49: {  	_ =	swait.ge [sflag:s15], $0x4000  }
0x4a: {  	[sflag:s15] =	ssyncset.done $0x0  }
.LBB2_5:
0x4b: {  	s4 =	sadd.s32 $0x1, s4  }
0x4c: {  	[sflag:s15] =	ssyncadd.s32 $0xFFFFC000;
	p0 =	sne.s32 s4, s13  }
.Ltmp3:
0x4d: {  	[bflag:$0x0] =	sbarrier.arrive $0xFFFF;
	(pc) =	sbr.rel @p0 .LBB2_1-.Ltmp3, $4  }
0x4e: {  	[hbm:s12], [sflag:s18] =	dma.local [spmem:s19], $0x2780  }
0x4f: {  	_ =	swait.ge [sflag:s15], $0x2780  }
0x50: {  	[sflag:s15] =	ssyncset.done $0x0  }
0x51: {  	[sflag:s15] =	ssyncadd.s32 $0xFFFFD880  }
0x52: {  	_ =	sfence.sel $0x180000  }
0x53: {  	[bflag:$0x0] =	sbarrier.arrive $0xFFFF  }
0x54: {  	p0 =	sne.s32 s2, $0x0;
	_ =	strace $0x90000047  }
0x55: {  	s0 =	sadd.s32 @!p0 $0x100000, s0;
	[bflag:$0x2] =	sbarrier.arrive $0xFFFF  }
0x56: {  	[sflag:s0] =	ssyncadd.tile.s32 @!p0 $0x1;
	_ =	shalt  }
.Lfunc_end2:
_tile_overlayer_lowered:
.L_overlay_start_2:
0x57: {  	(tag) =	ssettag $0x2  }
0x58: {  	s0 =	rddreg [dreg:$0x0];
	s2 =	stileid.u32  }
0x59: {  	s1 =	rddreg [dreg:$0x1];
	p0 =	sne.s32 s2, $0x0  }
0x5a: {  	s3 =	rddreg [dreg:$0x2];
	[bflag:$0x3] =	sbarrier.arrive $0xFFFF;
	s2 =	simm.s32 @!p0 $0x1C02  }
0x5b: {  	[timem:s3], [sflag:s2] =	dma.local @!p0 [hbm:s0], s1  }
0x5c: {  	s0 =	simm.s32 @!p0 $0x2  }
0x5d: {  	_ =	swait.ge @!p0 [sflag:s0], s1  }
0x5e: {  	s1 =	ssub.s32 @!p0 $0x0, s1;
	[sflag:s0] =	ssyncset.done @!p0 $0x0  }
0x5f: {  	[sflag:s0] =	ssyncadd.s32 @!p0 s1  }
0x60: {  	[bflag:$0x3] =	sbarrier.arrive $0xFFFF  }
0x61: {  	_ =	shalt  }

</sc_bundles>
